<compile_context>
chip_gen: v7x
topology: tpu7x:2x2x1
jax: 0.10.2.dev20260603
libtpu: 0.0.44.dev20260713+nightly
codegen_flags: <defaults>
</compile_context>

<pallas_src>
import functools

import jax
import jax.numpy as jnp
from jax import lax
from jax.experimental import pallas as pl
from jax.experimental.pallas import tpu as pltpu
from jax.experimental.pallas import tpu_sc as plsc

_BATCH = 16384
_F = 26
_BINS = 100000
_D = 64
_B = _BATCH * _F
_NW = 32
_BPW = _B // _NW
_C = 128
_T = _BPW // _C
_NBUF = 4
_LANES = 16


def _sc_gather(tab_flat, x_flat):
    mesh = plsc.VectorSubcoreMesh(core_axis_name="c", subcore_axis_name="s")

    scratch = [pltpu.VMEM((_BPW,), jnp.int32)]
    scratch += [pltpu.VMEM((_C, _D), jnp.float32) for _ in range(_NBUF)]
    scratch += [pltpu.SemaphoreType.DMA for _ in range(2 * _NBUF)]

    @functools.partial(
        pl.kernel,
        out_type=jax.ShapeDtypeStruct((_B, _D), jnp.float32),
        mesh=mesh,
        scratch_types=scratch,
        compiler_params=pltpu.CompilerParams(use_tc_tiling_on_sc=False),
    )
    def body(tab_hbm, x_hbm, out_hbm, idx_v, *rest):
        bufs = rest[:_NBUF]
        gsem = rest[_NBUF:2 * _NBUF]
        psem = rest[2 * _NBUF:]

        wid = lax.axis_index("s") * 2 + lax.axis_index("c")
        base = wid * _BPW

        pltpu.sync_copy(x_hbm.at[pl.ds(base, _BPW)], idx_v)

        @pl.loop(0, _BPW // _LANES)
        def _(i):
            off = i * _LANES
            pos = lax.iota(jnp.int32, _LANES) + off
            f = lax.rem(pos, _F)
            idx_v[pl.ds(off, _LANES)] = idx_v[pl.ds(off, _LANES)] + f * _BINS

        def start_gather(j, b):
            return pltpu.async_copy(
                tab_hbm.at[idx_v.at[pl.ds(j * _C, _C)]], bufs[b], gsem[b])

        for b in range(_NBUF):
            start_gather(b, b)

        def drain(j, b, with_next):
            pltpu.make_async_copy(
                tab_hbm.at[idx_v.at[pl.ds(j * _C, _C)]], bufs[b], gsem[b]).wait()
            pltpu.async_copy(
                bufs[b], out_hbm.at[pl.ds(base + j * _C, _C)], psem[b]).wait()
            if with_next:
                start_gather(j + _NBUF, b)

        @pl.loop(0, _T - _NBUF, step=_NBUF)
        def _(g):
            for b in range(_NBUF):
                drain(g + b, b, True)

        for b in range(_NBUF):
            drain(_T - _NBUF + b, b, False)

    return body(tab_flat, x_flat)


def kernel(x, tables):
    tab_flat = tables.reshape(_F * _BINS, _D)
    x_flat = x.reshape(_B)
    out = _sc_gather(tab_flat, x_flat)
    return out.reshape(_BATCH, _F * _D)

# --- scband reference (transcript-rebuilt; emitter-appended) ---
"""Pipeline reference for scband-discrete-feature-encoder-59742995088080 (READ-ONLY COPY).

The authoritative reference and input builder live on the scoring server;
editing this copy changes nothing except your own understanding.
"""

import jax, jax.numpy as jnp
import numpy as np

BATCH = 16384
F_FIELDS = 26
BINS = 100000
EMBED = 64


def setup_inputs(seed: int = 0) -> dict:
    key = jax.random.key(seed)
    k1, k2 = jax.random.split(key)
    # categorical feature matrix x: int indices per field, values in [0, BINS)
    x = jax.random.randint(k1, (BATCH, F_FIELDS), 0, BINS, dtype=jnp.int32)
    # one embedding table per field, stacked: [F, BINS, EMBED]
    # nn.Embedding default init is N(0, 1)
    tables = jax.random.normal(k2, (F_FIELDS, BINS, EMBED), dtype=jnp.float32)
    return {"x": x, "tables": tables}


def reference(x, tables):
    # Faithful translation of DiscreteFeatureEncoder.forward for a single node
    # type 'node' with use_feature_mask=False:
    #   embs = [emb_list[f](x[:, f]) for f in range(F)]  -> stack dim=1 -> flatten
    embs = jnp.stack([tables[f][x[:, f]] for f in range(F_FIELDS)], axis=1)  # [N, F, D]
    out = embs.reshape(embs.shape[0], -1)  # [N, F*D]
    return out

if __name__ == "__main__":
    import jax
    _d = setup_inputs()
    print(jax.jit(kernel)(*tuple(_d.values())))

</pallas_src>

<mosaic_0001>
#map = affine_map<(d0, d1) -> (0, 0)>
#map1 = affine_map<(d0, d1) -> (0)>
module attributes {stable_mosaic.version = 14 : i64} {
  func.func @body(%arg0: i32, %arg1: i32, %arg2: memref<2600000x64xf32, #tpu.memory_space<hbm>>, %arg3: memref<425984xi32, #tpu.memory_space<hbm>>, %arg4: memref<425984x64xf32, #tpu.memory_space<hbm>>, %arg5: memref<13312xi32, #tpu.memory_space<vmem>>, %arg6: memref<128x64xf32, #tpu.memory_space<vmem>>, %arg7: memref<128x64xf32, #tpu.memory_space<vmem>>, %arg8: memref<128x64xf32, #tpu.memory_space<vmem>>, %arg9: memref<128x64xf32, #tpu.memory_space<vmem>>, %arg10: memref<!tpu.dma_semaphore, #tpu.memory_space<semaphore_mem>>, %arg11: memref<!tpu.dma_semaphore, #tpu.memory_space<semaphore_mem>>, %arg12: memref<!tpu.dma_semaphore, #tpu.memory_space<semaphore_mem>>, %arg13: memref<!tpu.dma_semaphore, #tpu.memory_space<semaphore_mem>>, %arg14: memref<!tpu.dma_semaphore, #tpu.memory_space<semaphore_mem>>, %arg15: memref<!tpu.dma_semaphore, #tpu.memory_space<semaphore_mem>>, %arg16: memref<!tpu.dma_semaphore, #tpu.memory_space<semaphore_mem>>, %arg17: memref<!tpu.dma_semaphore, #tpu.memory_space<semaphore_mem>>) attributes {dimension_semantics = [#tpu.dimension_semantics<core_parallel>, #tpu.dimension_semantics<subcore_parallel>], iteration_bounds = array<i64: 2, 16>, scalar_prefetch = 0 : i64, scratch_operands = 13 : i64, tpu.core_type = #tpu.core_type<sc_vector_subcore>, window_params = [{transform_indices = #map}, {transform_indices = #map1}, {transform_indices = #map}]} {
    %mul3A = arith.constant 2 : i32
    %mul3A_0 = arith.muli %arg1, %mul3A : i32
    %add3A = arith.addi %mul3A_0, %arg0 : i32
    %mul3A_1 = arith.constant 13312 : i32
    %mul3A_2 = arith.muli %add3A, %mul3A_1 : i32
    "tpu.region"() ({
      %run_scoped3A = tpu.sem_alloc : memref<!tpu.dma_semaphore, #tpu.memory_space<semaphore_mem>>
      %dma_start3A_90 = tpu.memref_slice %arg3[%mul3A_2] : memref<425984xi32, #tpu.memory_space<hbm>> -> memref<13312xi32, #tpu.memory_space<hbm>>
      %dma_start3A_91 = tpu.memref_slice %arg3[%mul3A_2] : memref<425984xi32, #tpu.memory_space<hbm>> -> memref<13312xi32, #tpu.memory_space<hbm>>
      tpu.enqueue_dma source(%dma_start3A_91 : memref<13312xi32, #tpu.memory_space<hbm>>) target(%arg5 : memref<13312xi32, #tpu.memory_space<vmem>>) target_semaphore(%run_scoped3A : memref<!tpu.dma_semaphore, #tpu.memory_space<semaphore_mem>>)
      %dma_wait3A_92 = tpu.memref_slice %arg3[%mul3A_2] : memref<425984xi32, #tpu.memory_space<hbm>> -> memref<13312xi32, #tpu.memory_space<hbm>>
      %dma_wait3A_93 = tpu.memref_slice %arg3[%mul3A_2] : memref<425984xi32, #tpu.memory_space<hbm>> -> memref<13312xi32, #tpu.memory_space<hbm>>
      tpu.wait_dma2 semaphore(%run_scoped3A : memref<!tpu.dma_semaphore, #tpu.memory_space<semaphore_mem>>) src(%dma_wait3A_93 : memref<13312xi32, #tpu.memory_space<hbm>>) dst(%arg5 : memref<13312xi32, #tpu.memory_space<vmem>>)
      tpu.yield
    }) : () -> ()
    %scan3A = arith.constant 0 : i32
    %scan3A_3 = arith.constant 832 : i32
    %scan3A_4 = arith.addi %scan3A, %scan3A_3 : i32
    %scan3A_5 = arith.constant 1 : i32
    scf.for %scan3A_90 = %scan3A to %scan3A_4 step %scan3A_5  : i32 {
      %mul3A_91 = arith.constant 1 : i32
      %mul3A_92 = arith.muli %scan3A_90, %mul3A_91 : i32
      %add3A_93 = arith.constant 0 : i32
      %add3A_94 = arith.addi %add3A_93, %mul3A_92 : i32
      %mul3A_95 = arith.constant 16 : i32
      %mul3A_96 = arith.muli %add3A_94, %mul3A_95 : i32
      %iota3A = tpu.iota {dimensions = array<i32: 0>} : vector<16xi32>
      %add3A_97 = vector.broadcast %mul3A_96 : i32 to vector<16xi32>
      %add3A_98 = arith.addi %iota3A, %add3A_97 : vector<16xi32>
      %rem3A = arith.constant 26 : i32
      %rem3A_99 = vector.broadcast %rem3A : i32 to vector<16xi32>
      %rem3A_100 = arith.remsi %add3A_98, %rem3A_99 : vector<16xi32>
      %get3A = arith.index_cast %mul3A_96 : i32 to index
      %get3A_101 = tpu.vector_load %arg5[%get3A] {strides = array<i32>} : memref<13312xi32, #tpu.memory_space<vmem>>, vector<16xi32>,
      %get3A_102 = vector.shape_cast %get3A_101 : vector<16xi32> to vector<16xi32>
      %mul3A_103 = arith.constant 100000 : i32
      %mul3A_104 = vector.broadcast %mul3A_103 : i32 to vector<16xi32>
      %mul3A_105 = arith.muli %rem3A_100, %mul3A_104 : vector<16xi32>
      %add3A_106 = arith.addi %get3A_102, %mul3A_105 : vector<16xi32>
      %swap3A = arith.index_cast %mul3A_96 : i32 to index
      %swap3A_107 = tpu.vector_load %arg5[%swap3A] {strides = array<i32>} : memref<13312xi32, #tpu.memory_space<vmem>>, vector<16xi32>,
      %swap3A_108 = vector.shape_cast %swap3A_107 : vector<16xi32> to vector<16xi32>
      %swap3A_109 = vector.shape_cast %add3A_106 : vector<16xi32> to vector<16xi32>
      tpu.vector_store %arg5[%swap3A], %swap3A_109 {strides = array<i32>} : memref<13312xi32, #tpu.memory_space<vmem>>, vector<16xi32>,
    }
    %scan3A_6 = arith.constant 832 : i32
    %dma_start3A = arith.constant 0 : i32
    %dma_start3A_7 = tpu.memref_slice %arg5[%dma_start3A] : memref<13312xi32, #tpu.memory_space<vmem>> -> memref<128xi32, #tpu.memory_space<vmem>>
    %dma_start3A_8 = arith.constant 0 : i32
    %dma_start3A_9 = arith.constant 0 : i32
    %dma_start3A_10 = tpu.memref_slice %arg2[%dma_start3A_8, %dma_start3A_9] : memref<2600000x64xf32, #tpu.memory_space<hbm>> -> memref<2600000x64xf32, #tpu.memory_space<hbm>>
    tpu.enqueue_indirect_dma source(%dma_start3A_10 : memref<2600000x64xf32, #tpu.memory_space<hbm>>) target(%arg6 : memref<128x64xf32, #tpu.memory_space<vmem>>) offsets(%dma_start3A_7 : memref<128xi32, #tpu.memory_space<vmem>>) semaphore(%arg10 : memref<!tpu.dma_semaphore, #tpu.memory_space<semaphore_mem>>)
    %dma_start3A_11 = arith.constant 128 : i32
    %dma_start3A_12 = tpu.memref_slice %arg5[%dma_start3A_11] : memref<13312xi32, #tpu.memory_space<vmem>> -> memref<128xi32, #tpu.memory_space<vmem>>
    %dma_start3A_13 = arith.constant 0 : i32
    %dma_start3A_14 = arith.constant 0 : i32
    %dma_start3A_15 = tpu.memref_slice %arg2[%dma_start3A_13, %dma_start3A_14] : memref<2600000x64xf32, #tpu.memory_space<hbm>> -> memref<2600000x64xf32, #tpu.memory_space<hbm>>
    tpu.enqueue_indirect_dma source(%dma_start3A_15 : memref<2600000x64xf32, #tpu.memory_space<hbm>>) target(%arg7 : memref<128x64xf32, #tpu.memory_space<vmem>>) offsets(%dma_start3A_12 : memref<128xi32, #tpu.memory_space<vmem>>) semaphore(%arg11 : memref<!tpu.dma_semaphore, #tpu.memory_space<semaphore_mem>>)
    %dma_start3A_16 = arith.constant 256 : i32
    %dma_start3A_17 = tpu.memref_slice %arg5[%dma_start3A_16] : memref<13312xi32, #tpu.memory_space<vmem>> -> memref<128xi32, #tpu.memory_space<vmem>>
    %dma_start3A_18 = arith.constant 0 : i32
    %dma_start3A_19 = arith.constant 0 : i32
    %dma_start3A_20 = tpu.memref_slice %arg2[%dma_start3A_18, %dma_start3A_19] : memref<2600000x64xf32, #tpu.memory_space<hbm>> -> memref<2600000x64xf32, #tpu.memory_space<hbm>>
    tpu.enqueue_indirect_dma source(%dma_start3A_20 : memref<2600000x64xf32, #tpu.memory_space<hbm>>) target(%arg8 : memref<128x64xf32, #tpu.memory_space<vmem>>) offsets(%dma_start3A_17 : memref<128xi32, #tpu.memory_space<vmem>>) semaphore(%arg12 : memref<!tpu.dma_semaphore, #tpu.memory_space<semaphore_mem>>)
    %dma_start3A_21 = arith.constant 384 : i32
    %dma_start3A_22 = tpu.memref_slice %arg5[%dma_start3A_21] : memref<13312xi32, #tpu.memory_space<vmem>> -> memref<128xi32, #tpu.memory_space<vmem>>
    %dma_start3A_23 = arith.constant 0 : i32
    %dma_start3A_24 = arith.constant 0 : i32
    %dma_start3A_25 = tpu.memref_slice %arg2[%dma_start3A_23, %dma_start3A_24] : memref<2600000x64xf32, #tpu.memory_space<hbm>> -> memref<2600000x64xf32, #tpu.memory_space<hbm>>
    tpu.enqueue_indirect_dma source(%dma_start3A_25 : memref<2600000x64xf32, #tpu.memory_space<hbm>>) target(%arg9 : memref<128x64xf32, #tpu.memory_space<vmem>>) offsets(%dma_start3A_22 : memref<128xi32, #tpu.memory_space<vmem>>) semaphore(%arg13 : memref<!tpu.dma_semaphore, #tpu.memory_space<semaphore_mem>>)
    %scan3A_26 = arith.constant 0 : i32
    %scan3A_27 = arith.constant 25 : i32
    %scan3A_28 = arith.addi %scan3A_26, %scan3A_27 : i32
    %scan3A_29 = arith.constant 1 : i32
    scf.for %scan3A_90 = %scan3A_26 to %scan3A_28 step %scan3A_29  : i32 {
      %mul3A_91 = arith.constant 4 : i32
      %mul3A_92 = arith.muli %scan3A_90, %mul3A_91 : i32
      %add3A_93 = arith.constant 0 : i32
      %add3A_94 = arith.addi %add3A_93, %mul3A_92 : i32
      %add3A_95 = arith.constant 0 : i32
      %add3A_96 = arith.addi %add3A_94, %add3A_95 : i32
      %mul3A_97 = arith.constant 128 : i32
      %mul3A_98 = arith.muli %add3A_96, %mul3A_97 : i32
      %dma_wait3A_99 = tpu.memref_slice %arg5[%mul3A_98] : memref<13312xi32, #tpu.memory_space<vmem>> -> memref<128xi32, #tpu.memory_space<vmem>>
      %dma_wait3A_100 = arith.constant 0 : i32
      %dma_wait3A_101 = arith.constant 0 : i32
      %dma_wait3A_102 = tpu.memref_slice %arg2[%dma_wait3A_100, %dma_wait3A_101] : memref<2600000x64xf32, #tpu.memory_space<hbm>> -> memref<2600000x64xf32, #tpu.memory_space<hbm>>
      tpu.wait_indirect_dma semaphore(%arg10 : memref<!tpu.dma_semaphore, #tpu.memory_space<semaphore_mem>>) src(%dma_wait3A_102 : memref<2600000x64xf32, #tpu.memory_space<hbm>>) dst(%arg6 : memref<128x64xf32, #tpu.memory_space<vmem>>)
      %mul3A_103 = arith.constant 128 : i32
      %mul3A_104 = arith.muli %add3A_96, %mul3A_103 : i32
      %add3A_105 = arith.addi %mul3A_2, %mul3A_104 : i32
      %dma_start3A_106 = arith.constant 0 : i32
      %dma_start3A_107 = tpu.memref_slice %arg4[%add3A_105, %dma_start3A_106] : memref<425984x64xf32, #tpu.memory_space<hbm>> -> memref<128x64xf32, #tpu.memory_space<hbm>>
      %dma_start3A_108 = arith.constant 0 : i32
      %dma_start3A_109 = tpu.memref_slice %arg4[%add3A_105, %dma_start3A_108] : memref<425984x64xf32, #tpu.memory_space<hbm>> -> memref<128x64xf32, #tpu.memory_space<hbm>>
      tpu.enqueue_dma source(%arg6 : memref<128x64xf32, #tpu.memory_space<vmem>>) target(%dma_start3A_109 : memref<128x64xf32, #tpu.memory_space<hbm>>) target_semaphore(%arg14 : memref<!tpu.dma_semaphore, #tpu.memory_space<semaphore_mem>>)
      %dma_wait3A_110 = arith.constant 0 : i32
      %dma_wait3A_111 = tpu.memref_slice %arg4[%add3A_105, %dma_wait3A_110] : memref<425984x64xf32, #tpu.memory_space<hbm>> -> memref<128x64xf32, #tpu.memory_space<hbm>>
      %dma_wait3A_112 = arith.constant 0 : i32
      %dma_wait3A_113 = tpu.memref_slice %arg4[%add3A_105, %dma_wait3A_112] : memref<425984x64xf32, #tpu.memory_space<hbm>> -> memref<128x64xf32, #tpu.memory_space<hbm>>
      tpu.wait_dma2 semaphore(%arg14 : memref<!tpu.dma_semaphore, #tpu.memory_space<semaphore_mem>>) src(%arg6 : memref<128x64xf32, #tpu.memory_space<vmem>>) dst(%dma_wait3A_113 : memref<128x64xf32, #tpu.memory_space<hbm>>)
      %add3A_114 = arith.constant 4 : i32
      %add3A_115 = arith.addi %add3A_96, %add3A_114 : i32
      %mul3A_116 = arith.constant 128 : i32
      %mul3A_117 = arith.muli %add3A_115, %mul3A_116 : i32
      %dma_start3A_118 = tpu.memref_slice %arg5[%mul3A_117] : memref<13312xi32, #tpu.memory_space<vmem>> -> memref<128xi32, #tpu.memory_space<vmem>>
      %dma_start3A_119 = arith.constant 0 : i32
      %dma_start3A_120 = arith.constant 0 : i32
      %dma_start3A_121 = tpu.memref_slice %arg2[%dma_start3A_119, %dma_start3A_120] : memref<2600000x64xf32, #tpu.memory_space<hbm>> -> memref<2600000x64xf32, #tpu.memory_space<hbm>>
      tpu.enqueue_indirect_dma source(%dma_start3A_121 : memref<2600000x64xf32, #tpu.memory_space<hbm>>) target(%arg6 : memref<128x64xf32, #tpu.memory_space<vmem>>) offsets(%dma_start3A_118 : memref<128xi32, #tpu.memory_space<vmem>>) semaphore(%arg10 : memref<!tpu.dma_semaphore, #tpu.memory_space<semaphore_mem>>)
      %add3A_122 = arith.constant 1 : i32
      %add3A_123 = arith.addi %add3A_94, %add3A_122 : i32
      %mul3A_124 = arith.constant 128 : i32
      %mul3A_125 = arith.muli %add3A_123, %mul3A_124 : i32
      %dma_wait3A_126 = tpu.memref_slice %arg5[%mul3A_125] : memref<13312xi32, #tpu.memory_space<vmem>> -> memref<128xi32, #tpu.memory_space<vmem>>
      %dma_wait3A_127 = arith.constant 0 : i32
      %dma_wait3A_128 = arith.constant 0 : i32
      %dma_wait3A_129 = tpu.memref_slice %arg2[%dma_wait3A_127, %dma_wait3A_128] : memref<2600000x64xf32, #tpu.memory_space<hbm>> -> memref<2600000x64xf32, #tpu.memory_space<hbm>>
      tpu.wait_indirect_dma semaphore(%arg11 : memref<!tpu.dma_semaphore, #tpu.memory_space<semaphore_mem>>) src(%dma_wait3A_129 : memref<2600000x64xf32, #tpu.memory_space<hbm>>) dst(%arg7 : memref<128x64xf32, #tpu.memory_space<vmem>>)
      %mul3A_130 = arith.constant 128 : i32
      %mul3A_131 = arith.muli %add3A_123, %mul3A_130 : i32
      %add3A_132 = arith.addi %mul3A_2, %mul3A_131 : i32
      %dma_start3A_133 = arith.constant 0 : i32
      %dma_start3A_134 = tpu.memref_slice %arg4[%add3A_132, %dma_start3A_133] : memref<425984x64xf32, #tpu.memory_space<hbm>> -> memref<128x64xf32, #tpu.memory_space<hbm>>
      %dma_start3A_135 = arith.constant 0 : i32
      %dma_start3A_136 = tpu.memref_slice %arg4[%add3A_132, %dma_start3A_135] : memref<425984x64xf32, #tpu.memory_space<hbm>> -> memref<128x64xf32, #tpu.memory_space<hbm>>
      tpu.enqueue_dma source(%arg7 : memref<128x64xf32, #tpu.memory_space<vmem>>) target(%dma_start3A_136 : memref<128x64xf32, #tpu.memory_space<hbm>>) target_semaphore(%arg15 : memref<!tpu.dma_semaphore, #tpu.memory_space<semaphore_mem>>)
      %dma_wait3A_137 = arith.constant 0 : i32
      %dma_wait3A_138 = tpu.memref_slice %arg4[%add3A_132, %dma_wait3A_137] : memref<425984x64xf32, #tpu.memory_space<hbm>> -> memref<128x64xf32, #tpu.memory_space<hbm>>
      %dma_wait3A_139 = arith.constant 0 : i32
      %dma_wait3A_140 = tpu.memref_slice %arg4[%add3A_132, %dma_wait3A_139] : memref<425984x64xf32, #tpu.memory_space<hbm>> -> memref<128x64xf32, #tpu.memory_space<hbm>>
      tpu.wait_dma2 semaphore(%arg15 : memref<!tpu.dma_semaphore, #tpu.memory_space<semaphore_mem>>) src(%arg7 : memref<128x64xf32, #tpu.memory_space<vmem>>) dst(%dma_wait3A_140 : memref<128x64xf32, #tpu.memory_space<hbm>>)
      %add3A_141 = arith.constant 4 : i32
      %add3A_142 = arith.addi %add3A_123, %add3A_141 : i32
      %mul3A_143 = arith.constant 128 : i32
      %mul3A_144 = arith.muli %add3A_142, %mul3A_143 : i32
      %dma_start3A_145 = tpu.memref_slice %arg5[%mul3A_144] : memref<13312xi32, #tpu.memory_space<vmem>> -> memref<128xi32, #tpu.memory_space<vmem>>
      %dma_start3A_146 = arith.constant 0 : i32
      %dma_start3A_147 = arith.constant 0 : i32
      %dma_start3A_148 = tpu.memref_slice %arg2[%dma_start3A_146, %dma_start3A_147] : memref<2600000x64xf32, #tpu.memory_space<hbm>> -> memref<2600000x64xf32, #tpu.memory_space<hbm>>
      tpu.enqueue_indirect_dma source(%dma_start3A_148 : memref<2600000x64xf32, #tpu.memory_space<hbm>>) target(%arg7 : memref<128x64xf32, #tpu.memory_space<vmem>>) offsets(%dma_start3A_145 : memref<128xi32, #tpu.memory_space<vmem>>) semaphore(%arg11 : memref<!tpu.dma_semaphore, #tpu.memory_space<semaphore_mem>>)
      %add3A_149 = arith.constant 2 : i32
      %add3A_150 = arith.addi %add3A_94, %add3A_149 : i32
      %mul3A_151 = arith.constant 128 : i32
      %mul3A_152 = arith.muli %add3A_150, %mul3A_151 : i32
      %dma_wait3A_153 = tpu.memref_slice %arg5[%mul3A_152] : memref<13312xi32, #tpu.memory_space<vmem>> -> memref<128xi32, #tpu.memory_space<vmem>>
      %dma_wait3A_154 = arith.constant 0 : i32
      %dma_wait3A_155 = arith.constant 0 : i32
      %dma_wait3A_156 = tpu.memref_slice %arg2[%dma_wait3A_154, %dma_wait3A_155] : memref<2600000x64xf32, #tpu.memory_space<hbm>> -> memref<2600000x64xf32, #tpu.memory_space<hbm>>
      tpu.wait_indirect_dma semaphore(%arg12 : memref<!tpu.dma_semaphore, #tpu.memory_space<semaphore_mem>>) src(%dma_wait3A_156 : memref<2600000x64xf32, #tpu.memory_space<hbm>>) dst(%arg8 : memref<128x64xf32, #tpu.memory_space<vmem>>)
      %mul3A_157 = arith.constant 128 : i32
      %mul3A_158 = arith.muli %add3A_150, %mul3A_157 : i32
      %add3A_159 = arith.addi %mul3A_2, %mul3A_158 : i32
      %dma_start3A_160 = arith.constant 0 : i32
      %dma_start3A_161 = tpu.memref_slice %arg4[%add3A_159, %dma_start3A_160] : memref<425984x64xf32, #tpu.memory_space<hbm>> -> memref<128x64xf32, #tpu.memory_space<hbm>>
      %dma_start3A_162 = arith.constant 0 : i32
      %dma_start3A_163 = tpu.memref_slice %arg4[%add3A_159, %dma_start3A_162] : memref<425984x64xf32, #tpu.memory_space<hbm>> -> memref<128x64xf32, #tpu.memory_space<hbm>>
      tpu.enqueue_dma source(%arg8 : memref<128x64xf32, #tpu.memory_space<vmem>>) target(%dma_start3A_163 : memref<128x64xf32, #tpu.memory_space<hbm>>) target_semaphore(%arg16 : memref<!tpu.dma_semaphore, #tpu.memory_space<semaphore_mem>>)
      %dma_wait3A_164 = arith.constant 0 : i32
      %dma_wait3A_165 = tpu.memref_slice %arg4[%add3A_159, %dma_wait3A_164] : memref<425984x64xf32, #tpu.memory_space<hbm>> -> memref<128x64xf32, #tpu.memory_space<hbm>>
      %dma_wait3A_166 = arith.constant 0 : i32
      %dma_wait3A_167 = tpu.memref_slice %arg4[%add3A_159, %dma_wait3A_166] : memref<425984x64xf32, #tpu.memory_space<hbm>> -> memref<128x64xf32, #tpu.memory_space<hbm>>
      tpu.wait_dma2 semaphore(%arg16 : memref<!tpu.dma_semaphore, #tpu.memory_space<semaphore_mem>>) src(%arg8 : memref<128x64xf32, #tpu.memory_space<vmem>>) dst(%dma_wait3A_167 : memref<128x64xf32, #tpu.memory_space<hbm>>)
      %add3A_168 = arith.constant 4 : i32
      %add3A_169 = arith.addi %add3A_150, %add3A_168 : i32
      %mul3A_170 = arith.constant 128 : i32
      %mul3A_171 = arith.muli %add3A_169, %mul3A_170 : i32
      %dma_start3A_172 = tpu.memref_slice %arg5[%mul3A_171] : memref<13312xi32, #tpu.memory_space<vmem>> -> memref<128xi32, #tpu.memory_space<vmem>>
      %dma_start3A_173 = arith.constant 0 : i32
      %dma_start3A_174 = arith.constant 0 : i32
      %dma_start3A_175 = tpu.memref_slice %arg2[%dma_start3A_173, %dma_start3A_174] : memref<2600000x64xf32, #tpu.memory_space<hbm>> -> memref<2600000x64xf32, #tpu.memory_space<hbm>>
      tpu.enqueue_indirect_dma source(%dma_start3A_175 : memref<2600000x64xf32, #tpu.memory_space<hbm>>) target(%arg8 : memref<128x64xf32, #tpu.memory_space<vmem>>) offsets(%dma_start3A_172 : memref<128xi32, #tpu.memory_space<vmem>>) semaphore(%arg12 : memref<!tpu.dma_semaphore, #tpu.memory_space<semaphore_mem>>)
      %add3A_176 = arith.constant 3 : i32
      %add3A_177 = arith.addi %add3A_94, %add3A_176 : i32
      %mul3A_178 = arith.constant 128 : i32
      %mul3A_179 = arith.muli %add3A_177, %mul3A_178 : i32
      %dma_wait3A_180 = tpu.memref_slice %arg5[%mul3A_179] : memref<13312xi32, #tpu.memory_space<vmem>> -> memref<128xi32, #tpu.memory_space<vmem>>
      %dma_wait3A_181 = arith.constant 0 : i32
      %dma_wait3A_182 = arith.constant 0 : i32
      %dma_wait3A_183 = tpu.memref_slice %arg2[%dma_wait3A_181, %dma_wait3A_182] : memref<2600000x64xf32, #tpu.memory_space<hbm>> -> memref<2600000x64xf32, #tpu.memory_space<hbm>>
      tpu.wait_indirect_dma semaphore(%arg13 : memref<!tpu.dma_semaphore, #tpu.memory_space<semaphore_mem>>) src(%dma_wait3A_183 : memref<2600000x64xf32, #tpu.memory_space<hbm>>) dst(%arg9 : memref<128x64xf32, #tpu.memory_space<vmem>>)
      %mul3A_184 = arith.constant 128 : i32
      %mul3A_185 = arith.muli %add3A_177, %mul3A_184 : i32
      %add3A_186 = arith.addi %mul3A_2, %mul3A_185 : i32
      %dma_start3A_187 = arith.constant 0 : i32
      %dma_start3A_188 = tpu.memref_slice %arg4[%add3A_186, %dma_start3A_187] : memref<425984x64xf32, #tpu.memory_space<hbm>> -> memref<128x64xf32, #tpu.memory_space<hbm>>
      %dma_start3A_189 = arith.constant 0 : i32
      %dma_start3A_190 = tpu.memref_slice %arg4[%add3A_186, %dma_start3A_189] : memref<425984x64xf32, #tpu.memory_space<hbm>> -> memref<128x64xf32, #tpu.memory_space<hbm>>
      tpu.enqueue_dma source(%arg9 : memref<128x64xf32, #tpu.memory_space<vmem>>) target(%dma_start3A_190 : memref<128x64xf32, #tpu.memory_space<hbm>>) target_semaphore(%arg17 : memref<!tpu.dma_semaphore, #tpu.memory_space<semaphore_mem>>)
      %dma_wait3A_191 = arith.constant 0 : i32
      %dma_wait3A_192 = tpu.memref_slice %arg4[%add3A_186, %dma_wait3A_191] : memref<425984x64xf32, #tpu.memory_space<hbm>> -> memref<128x64xf32, #tpu.memory_space<hbm>>
      %dma_wait3A_193 = arith.constant 0 : i32
      %dma_wait3A_194 = tpu.memref_slice %arg4[%add3A_186, %dma_wait3A_193] : memref<425984x64xf32, #tpu.memory_space<hbm>> -> memref<128x64xf32, #tpu.memory_space<hbm>>
      tpu.wait_dma2 semaphore(%arg17 : memref<!tpu.dma_semaphore, #tpu.memory_space<semaphore_mem>>) src(%arg9 : memref<128x64xf32, #tpu.memory_space<vmem>>) dst(%dma_wait3A_194 : memref<128x64xf32, #tpu.memory_space<hbm>>)
      %add3A_195 = arith.constant 4 : i32
      %add3A_196 = arith.addi %add3A_177, %add3A_195 : i32
      %mul3A_197 = arith.constant 128 : i32
      %mul3A_198 = arith.muli %add3A_196, %mul3A_197 : i32
      %dma_start3A_199 = tpu.memref_slice %arg5[%mul3A_198] : memref<13312xi32, #tpu.memory_space<vmem>> -> memref<128xi32, #tpu.memory_space<vmem>>
      %dma_start3A_200 = arith.constant 0 : i32
      %dma_start3A_201 = arith.constant 0 : i32
      %dma_start3A_202 = tpu.memref_slice %arg2[%dma_start3A_200, %dma_start3A_201] : memref<2600000x64xf32, #tpu.memory_space<hbm>> -> memref<2600000x64xf32, #tpu.memory_space<hbm>>
      tpu.enqueue_indirect_dma source(%dma_start3A_202 : memref<2600000x64xf32, #tpu.memory_space<hbm>>) target(%arg9 : memref<128x64xf32, #tpu.memory_space<vmem>>) offsets(%dma_start3A_199 : memref<128xi32, #tpu.memory_space<vmem>>) semaphore(%arg13 : memref<!tpu.dma_semaphore, #tpu.memory_space<semaphore_mem>>)
    }
    %scan3A_30 = arith.constant 25 : i32
    %dma_wait3A = arith.constant 12800 : i32
    %dma_wait3A_31 = tpu.memref_slice %arg5[%dma_wait3A] : memref<13312xi32, #tpu.memory_space<vmem>> -> memref<128xi32, #tpu.memory_space<vmem>>
    %dma_wait3A_32 = arith.constant 0 : i32
    %dma_wait3A_33 = arith.constant 0 : i32
    %dma_wait3A_34 = tpu.memref_slice %arg2[%dma_wait3A_32, %dma_wait3A_33] : memref<2600000x64xf32, #tpu.memory_space<hbm>> -> memref<2600000x64xf32, #tpu.memory_space<hbm>>
    tpu.wait_indirect_dma semaphore(%arg10 : memref<!tpu.dma_semaphore, #tpu.memory_space<semaphore_mem>>) src(%dma_wait3A_34 : memref<2600000x64xf32, #tpu.memory_space<hbm>>) dst(%arg6 : memref<128x64xf32, #tpu.memory_space<vmem>>)
    %add3A_35 = arith.constant 12800 : i32
    %add3A_36 = arith.addi %mul3A_2, %add3A_35 : i32
    %dma_start3A_37 = arith.constant 0 : i32
    %dma_start3A_38 = tpu.memref_slice %arg4[%add3A_36, %dma_start3A_37] : memref<425984x64xf32, #tpu.memory_space<hbm>> -> memref<128x64xf32, #tpu.memory_space<hbm>>
    %dma_start3A_39 = arith.constant 0 : i32
    %dma_start3A_40 = tpu.memref_slice %arg4[%add3A_36, %dma_start3A_39] : memref<425984x64xf32, #tpu.memory_space<hbm>> -> memref<128x64xf32, #tpu.memory_space<hbm>>
    tpu.enqueue_dma source(%arg6 : memref<128x64xf32, #tpu.memory_space<vmem>>) target(%dma_start3A_40 : memref<128x64xf32, #tpu.memory_space<hbm>>) target_semaphore(%arg14 : memref<!tpu.dma_semaphore, #tpu.memory_space<semaphore_mem>>)
    %dma_wait3A_41 = arith.constant 0 : i32
    %dma_wait3A_42 = tpu.memref_slice %arg4[%add3A_36, %dma_wait3A_41] : memref<425984x64xf32, #tpu.memory_space<hbm>> -> memref<128x64xf32, #tpu.memory_space<hbm>>
    %dma_wait3A_43 = arith.constant 0 : i32
    %dma_wait3A_44 = tpu.memref_slice %arg4[%add3A_36, %dma_wait3A_43] : memref<425984x64xf32, #tpu.memory_space<hbm>> -> memref<128x64xf32, #tpu.memory_space<hbm>>
    tpu.wait_dma2 semaphore(%arg14 : memref<!tpu.dma_semaphore, #tpu.memory_space<semaphore_mem>>) src(%arg6 : memref<128x64xf32, #tpu.memory_space<vmem>>) dst(%dma_wait3A_44 : memref<128x64xf32, #tpu.memory_space<hbm>>)
    %dma_wait3A_45 = arith.constant 12928 : i32
    %dma_wait3A_46 = tpu.memref_slice %arg5[%dma_wait3A_45] : memref<13312xi32, #tpu.memory_space<vmem>> -> memref<128xi32, #tpu.memory_space<vmem>>
    %dma_wait3A_47 = arith.constant 0 : i32
    %dma_wait3A_48 = arith.constant 0 : i32
    %dma_wait3A_49 = tpu.memref_slice %arg2[%dma_wait3A_47, %dma_wait3A_48] : memref<2600000x64xf32, #tpu.memory_space<hbm>> -> memref<2600000x64xf32, #tpu.memory_space<hbm>>
    tpu.wait_indirect_dma semaphore(%arg11 : memref<!tpu.dma_semaphore, #tpu.memory_space<semaphore_mem>>) src(%dma_wait3A_49 : memref<2600000x64xf32, #tpu.memory_space<hbm>>) dst(%arg7 : memref<128x64xf32, #tpu.memory_space<vmem>>)
    %add3A_50 = arith.constant 12928 : i32
    %add3A_51 = arith.addi %mul3A_2, %add3A_50 : i32
    %dma_start3A_52 = arith.constant 0 : i32
    %dma_start3A_53 = tpu.memref_slice %arg4[%add3A_51, %dma_start3A_52] : memref<425984x64xf32, #tpu.memory_space<hbm>> -> memref<128x64xf32, #tpu.memory_space<hbm>>
    %dma_start3A_54 = arith.constant 0 : i32
    %dma_start3A_55 = tpu.memref_slice %arg4[%add3A_51, %dma_start3A_54] : memref<425984x64xf32, #tpu.memory_space<hbm>> -> memref<128x64xf32, #tpu.memory_space<hbm>>
    tpu.enqueue_dma source(%arg7 : memref<128x64xf32, #tpu.memory_space<vmem>>) target(%dma_start3A_55 : memref<128x64xf32, #tpu.memory_space<hbm>>) target_semaphore(%arg15 : memref<!tpu.dma_semaphore, #tpu.memory_space<semaphore_mem>>)
    %dma_wait3A_56 = arith.constant 0 : i32
    %dma_wait3A_57 = tpu.memref_slice %arg4[%add3A_51, %dma_wait3A_56] : memref<425984x64xf32, #tpu.memory_space<hbm>> -> memref<128x64xf32, #tpu.memory_space<hbm>>
    %dma_wait3A_58 = arith.constant 0 : i32
    %dma_wait3A_59 = tpu.memref_slice %arg4[%add3A_51, %dma_wait3A_58] : memref<425984x64xf32, #tpu.memory_space<hbm>> -> memref<128x64xf32, #tpu.memory_space<hbm>>
    tpu.wait_dma2 semaphore(%arg15 : memref<!tpu.dma_semaphore, #tpu.memory_space<semaphore_mem>>) src(%arg7 : memref<128x64xf32, #tpu.memory_space<vmem>>) dst(%dma_wait3A_59 : memref<128x64xf32, #tpu.memory_space<hbm>>)
    %dma_wait3A_60 = arith.constant 13056 : i32
    %dma_wait3A_61 = tpu.memref_slice %arg5[%dma_wait3A_60] : memref<13312xi32, #tpu.memory_space<vmem>> -> memref<128xi32, #tpu.memory_space<vmem>>
    %dma_wait3A_62 = arith.constant 0 : i32
    %dma_wait3A_63 = arith.constant 0 : i32
    %dma_wait3A_64 = tpu.memref_slice %arg2[%dma_wait3A_62, %dma_wait3A_63] : memref<2600000x64xf32, #tpu.memory_space<hbm>> -> memref<2600000x64xf32, #tpu.memory_space<hbm>>
    tpu.wait_indirect_dma semaphore(%arg12 : memref<!tpu.dma_semaphore, #tpu.memory_space<semaphore_mem>>) src(%dma_wait3A_64 : memref<2600000x64xf32, #tpu.memory_space<hbm>>) dst(%arg8 : memref<128x64xf32, #tpu.memory_space<vmem>>)
    %add3A_65 = arith.constant 13056 : i32
    %add3A_66 = arith.addi %mul3A_2, %add3A_65 : i32
    %dma_start3A_67 = arith.constant 0 : i32
    %dma_start3A_68 = tpu.memref_slice %arg4[%add3A_66, %dma_start3A_67] : memref<425984x64xf32, #tpu.memory_space<hbm>> -> memref<128x64xf32, #tpu.memory_space<hbm>>
    %dma_start3A_69 = arith.constant 0 : i32
    %dma_start3A_70 = tpu.memref_slice %arg4[%add3A_66, %dma_start3A_69] : memref<425984x64xf32, #tpu.memory_space<hbm>> -> memref<128x64xf32, #tpu.memory_space<hbm>>
    tpu.enqueue_dma source(%arg8 : memref<128x64xf32, #tpu.memory_space<vmem>>) target(%dma_start3A_70 : memref<128x64xf32, #tpu.memory_space<hbm>>) target_semaphore(%arg16 : memref<!tpu.dma_semaphore, #tpu.memory_space<semaphore_mem>>)
    %dma_wait3A_71 = arith.constant 0 : i32
    %dma_wait3A_72 = tpu.memref_slice %arg4[%add3A_66, %dma_wait3A_71] : memref<425984x64xf32, #tpu.memory_space<hbm>> -> memref<128x64xf32, #tpu.memory_space<hbm>>
    %dma_wait3A_73 = arith.constant 0 : i32
    %dma_wait3A_74 = tpu.memref_slice %arg4[%add3A_66, %dma_wait3A_73] : memref<425984x64xf32, #tpu.memory_space<hbm>> -> memref<128x64xf32, #tpu.memory_space<hbm>>
    tpu.wait_dma2 semaphore(%arg16 : memref<!tpu.dma_semaphore, #tpu.memory_space<semaphore_mem>>) src(%arg8 : memref<128x64xf32, #tpu.memory_space<vmem>>) dst(%dma_wait3A_74 : memref<128x64xf32, #tpu.memory_space<hbm>>)
    %dma_wait3A_75 = arith.constant 13184 : i32
    %dma_wait3A_76 = tpu.memref_slice %arg5[%dma_wait3A_75] : memref<13312xi32, #tpu.memory_space<vmem>> -> memref<128xi32, #tpu.memory_space<vmem>>
    %dma_wait3A_77 = arith.constant 0 : i32
    %dma_wait3A_78 = arith.constant 0 : i32
    %dma_wait3A_79 = tpu.memref_slice %arg2[%dma_wait3A_77, %dma_wait3A_78] : memref<2600000x64xf32, #tpu.memory_space<hbm>> -> memref<2600000x64xf32, #tpu.memory_space<hbm>>
    tpu.wait_indirect_dma semaphore(%arg13 : memref<!tpu.dma_semaphore, #tpu.memory_space<semaphore_mem>>) src(%dma_wait3A_79 : memref<2600000x64xf32, #tpu.memory_space<hbm>>) dst(%arg9 : memref<128x64xf32, #tpu.memory_space<vmem>>)
    %add3A_80 = arith.constant 13184 : i32
    %add3A_81 = arith.addi %mul3A_2, %add3A_80 : i32
    %dma_start3A_82 = arith.constant 0 : i32
    %dma_start3A_83 = tpu.memref_slice %arg4[%add3A_81, %dma_start3A_82] : memref<425984x64xf32, #tpu.memory_space<hbm>> -> memref<128x64xf32, #tpu.memory_space<hbm>>
    %dma_start3A_84 = arith.constant 0 : i32
    %dma_start3A_85 = tpu.memref_slice %arg4[%add3A_81, %dma_start3A_84] : memref<425984x64xf32, #tpu.memory_space<hbm>> -> memref<128x64xf32, #tpu.memory_space<hbm>>
    tpu.enqueue_dma source(%arg9 : memref<128x64xf32, #tpu.memory_space<vmem>>) target(%dma_start3A_85 : memref<128x64xf32, #tpu.memory_space<hbm>>) target_semaphore(%arg17 : memref<!tpu.dma_semaphore, #tpu.memory_space<semaphore_mem>>)
    %dma_wait3A_86 = arith.constant 0 : i32
    %dma_wait3A_87 = tpu.memref_slice %arg4[%add3A_81, %dma_wait3A_86] : memref<425984x64xf32, #tpu.memory_space<hbm>> -> memref<128x64xf32, #tpu.memory_space<hbm>>
    %dma_wait3A_88 = arith.constant 0 : i32
    %dma_wait3A_89 = tpu.memref_slice %arg4[%add3A_81, %dma_wait3A_88] : memref<425984x64xf32, #tpu.memory_space<hbm>> -> memref<128x64xf32, #tpu.memory_space<hbm>>
    tpu.wait_dma2 semaphore(%arg17 : memref<!tpu.dma_semaphore, #tpu.memory_space<semaphore_mem>>) src(%arg9 : memref<128x64xf32, #tpu.memory_space<vmem>>) dst(%dma_wait3A_89 : memref<128x64xf32, #tpu.memory_space<hbm>>)
    return
  }
}

</mosaic_0001>

<sc_bundles>
// kernel: kernel.3.cloned.1.call-start
scs
__scs_entry_jumppad:
0x0: {  	(pc) =	sbr.rel $0x88, $3  }
0x1: {  	(tag) =	ssettag $0x0;
	lr =	simm.s32 $0x1  }
0x2: {  	[smem:$0x3F9F] =	sst lr;
	_ =	strace $0xD0000000  }
0x3: {  	_ = 	snop  }
0x4: {  	_ = 	snop  }
0x5: {  	_ = 	snop  }
0x6: {  	_ = 	snop  }
0x7: {  	_ = 	snop  }
__scs_overlays_trampoline_lowered:
0x8: {  	[smem:$0x3FAE] =	sst s0  }
0x9: {  	[smem:$0x3FAF] =	sst s1  }
0xa: {  	[smem:$0x3FB0] =	sst s2  }
0xb: {  	[smem:$0x3FB1] =	sst s3  }
0xc: {  	[smem:$0x3FB2] =	sst s4  }
0xd: {  	[smem:$0x3FB3] =	sst s5  }
0xe: {  	[smem:$0x3FB4] =	sst s6  }
0xf: {  	[smem:$0x3FB5] =	sst s7  }
0x10: {  	[smem:$0x3FB6] =	sst s8  }
0x11: {  	[smem:$0x3FB7] =	sst s9;
	s0 =	simm.s32 @!p0 $0x0  }
0x12: {  	s1 =	sld [smem:$0x3F9D];
	s0 =	simm.s32 @p0 $0x1  }
0x13: {  	[smem:$0x3FB8] =	sst s0;
	s0 =	simm.s32 @!p1 $0x0  }
0x14: {  	s2 =	sld [smem:$0x3F9C];
	s0 =	simm.s32 @p1 $0x1  }
0x15: {  	[smem:$0x3FB9] =	sst s0;
	s0 =	simm.s32 @!p2 $0x0  }
0x16: {  	s3 =	sld [smem:$0x3FDB];
	s0 =	simm.s32 @p2 $0x1  }
0x17: {  	s4 =	simm.s32 $0x1BF5;
	[smem:$0x3FBB] =	sst s0  }
0x18: {  	s0 =	sld [smem:$0x3F9E];
	_ =	swait.ge [sflag:s4], $0x0  }
0x19: {  	s7 =	sld [smem:$0x3F9F]  }
0x1a: {  	s8 =	sadd.s32 $0xFFFFE003, lr  }
0x1b: {  	s9 =	sadd.s32 $0xFFFFFEF7, lr;
	s5 =	simm.s32 $0xFFFFFFFF;
	p2 =	slt.u32 s8, $0xFFFFF086  }
0x1c: {  	p1 =	slt.u32 s9, $0xF7A;
	s5 =	simm.s32 @!p2 $0x0  }
0x1d: {  	s5 =	simm.s32 @p1 $0x1;
	p0 =	seq.s32 s7, s2  }
0x1e: {  	s7 =	smul.u32 @!p0 $0xF7A, s2;
	p2 =	seq.s32 @!p0 s5, $0x0  }
0x1f: {  	s9 =	smul.u32 $0xF7A, s1;
	s8 =	simm.s32 @!p0 $0x1BF5;
	p2 =	por !p2, p0  }
0x20: {  	[sflag:s8] =	ssyncset.s32 @!p0 $0xFFFFF086;
	s6 =	sadd.s32 @!p0 s3, s7;
	s7 =	simm.s32 @!p0 $0x108  }
0x21: {  	s3 =	sadd.s32 s3, s9;
	s6 =	sadd.s32 @!p0 $0x88, s6;
	s7 =	simm.s32 @p2 $0x1082  }
0x22: {  	[simem:s7], [sflag:s8] =	dma.local @!p0 [hbm:s6], $0xF7A  }
0x23: {  	s9 =	sor.u32 $0xD0000000, s2;
	s6 =	simm.s32 $0x108;
	_ =	swait.ge @!p0 [sflag:s8], $0x0  }
0x24: {  	s3 =	sadd.s32 $0x88, s3;
	s6 =	simm.s32 @!p1 $0x1082;
	[sflag:s4] =	ssyncset.s32 $0xFFFFF086  }
0x25: {  	[simem:s6], [sflag:s4] =	dma.local [hbm:s3], $0xF7A  }
0x26: {  	[smem:$0x3F9F] =	sst s1;
	(tag) =	ssettag s2;
	_ =	strace s9  }
0x27: {  	s1 =	sld [smem:$0x3FAF]  }
0x28: {  	s2 =	sld [smem:$0x3FB0]  }
0x29: {  	s4 =	sld [smem:$0x3FB2]  }
0x2a: {  	p0 =	seq.s32 s5, $0x0;
	s5 =	sld [smem:$0x3FB3]  }
0x2b: {  	s6 =	sld [smem:$0x3FB4]  }
0x2c: {  	s7 =	sld [smem:$0x3FB5]  }
0x2d: {  	s3 =	simm.s32 $0x108;
	s8 =	sld [smem:$0x3FB6]  }
0x2e: {  	s3 =	simm.s32 @!p0 $0x1082;
	s9 =	sld [smem:$0x3FB7]  }
0x2f: {  	lr =	sadd.s32 s0, s3;
	s0 =	sld [smem:$0x3FAE]  }
0x30: {  	s3 =	sld [smem:$0x3FB1]  }
0x31: {  	[smem:$0x3FBA] =	sst s10  }
0x32: {  	s10 =	sld [smem:$0x3FB8];
	_ =	sdelay $0x3  }
0x33: {  	p0 =	seq.s32 s10, $0x1;
	s10 =	sld [smem:$0x3FBA];
	_ =	sdelay $0x3  }
0x34: {  	[smem:$0x3FBA] =	sst s10  }
0x35: {  	s10 =	sld [smem:$0x3FB9];
	_ =	sdelay $0x3  }
0x36: {  	p1 =	seq.s32 s10, $0x1;
	s10 =	sld [smem:$0x3FBA];
	_ =	sdelay $0x3  }
0x37: {  	[smem:$0x3FBA] =	sst s10  }
0x38: {  	s10 =	sld [smem:$0x3FBB]  }
0x39: {  	_ = 	snop;
	(pc) =	sbr.ind lr, $3  }
0x3a: {  	_ = 	snop  }
0x3b: {  	_ = 	snop  }
0x3c: {  	p2 =	seq.s32 s10, $0x1;
	s10 =	sld [smem:$0x3FBA]  }
0x3d: {  	_ =	shalt  }
0x3e: {  	_ =	shalt  }
0x3f: {  	_ =	shalt  }
0x40: {  	_ =	shalt  }
0x41: {  	_ =	shalt  }
0x42: {  	_ =	shalt  }
0x43: {  	_ =	shalt  }
0x44: {  	_ =	shalt  }
0x45: {  	_ =	shalt  }
0x46: {  	_ =	shalt  }
0x47: {  	_ =	shalt  }
0x48: {  	_ =	shalt  }
0x49: {  	_ =	shalt  }
0x4a: {  	_ =	shalt  }
0x4b: {  	_ =	shalt  }
0x4c: {  	_ =	shalt  }
0x4d: {  	_ =	shalt  }
0x4e: {  	_ =	shalt  }
0x4f: {  	_ =	shalt  }
0x50: {  	_ =	shalt  }
0x51: {  	_ =	shalt  }
0x52: {  	_ =	shalt  }
0x53: {  	_ =	shalt  }
0x54: {  	_ =	shalt  }
0x55: {  	_ =	shalt  }
0x56: {  	_ =	shalt  }
0x57: {  	_ =	shalt  }
0x58: {  	_ =	shalt  }
0x59: {  	_ =	shalt  }
0x5a: {  	_ =	shalt  }
0x5b: {  	_ =	shalt  }
0x5c: {  	_ =	shalt  }
0x5d: {  	_ =	shalt  }
0x5e: {  	_ =	shalt  }
0x5f: {  	_ =	shalt  }
0x60: {  	_ =	shalt  }
0x61: {  	_ =	shalt  }
0x62: {  	_ =	shalt  }
0x63: {  	_ =	shalt  }
0x64: {  	_ =	shalt  }
0x65: {  	_ =	shalt  }
0x66: {  	_ =	shalt  }
0x67: {  	_ =	shalt  }
0x68: {  	_ =	shalt  }
0x69: {  	_ =	shalt  }
0x6a: {  	_ =	shalt  }
0x6b: {  	_ =	shalt  }
0x6c: {  	_ =	shalt  }
0x6d: {  	_ =	shalt  }
0x6e: {  	_ =	shalt  }
0x6f: {  	_ =	shalt  }
0x70: {  	_ =	shalt  }
0x71: {  	_ =	shalt  }
0x72: {  	_ =	shalt  }
0x73: {  	_ =	shalt  }
0x74: {  	_ =	shalt  }
0x75: {  	_ =	shalt  }
0x76: {  	_ =	shalt  }
0x77: {  	_ =	shalt  }
0x78: {  	_ =	shalt  }
0x79: {  	_ =	shalt  }
0x7a: {  	_ =	shalt  }
0x7b: {  	_ =	shalt  }
0x7c: {  	_ =	shalt  }
0x7d: {  	_ =	shalt  }
0x7e: {  	_ =	shalt  }
0x7f: {  	_ =	shalt  }
0x80: {  	_ =	shalt  }
0x81: {  	_ =	shalt  }
0x82: {  	_ =	shalt  }
0x83: {  	_ =	shalt  }
0x84: {  	_ =	shalt  }
0x85: {  	_ =	shalt  }
0x86: {  	_ =	shalt  }
0x87: {  	_ =	shalt  }
.Lfunc_end0:
.L_simem_size_0:
called_computation_lowered:
.L_overlay_start_0:
0x88: {  	s2 =	sld [smem:$0x3FD9]  }
0x89: {  	s3 =	sld [smem:$0x3FFE];
	_ =	sdelay $0x1  }
0x8a: {  	s1 =	srdreg.scid  }
0x8b: {  	s0 =	sand.u32 $0x1, s1  }
0x8c: {  	s17 =	sshll.u32 s0, $0xA;
	s2 =	sadd.s32 s3, s2  }
0x8d: {  	s2 =	sadd.s32 s2, s17  }
0x8e: {  	[smem:$0x3FC6] =	sst s2  }
0x8f: {  	_ = 	snop  }
0x90: {  	s2 =	sld [smem:$0x3FD0];
	(tm) =	ssettm $0x1  }
0x91: {  	s18 =	sld [smem:$0x3FFB];
	_ =	sdelay $0x3  }
0x92: {  	_ =	strace s18  }
0x93: {  	s3 =	sld [smem:$0x3FFC];
	_ =	sdelay $0x3  }
0x94: {  	_ =	strace s3  }
0x95: {  	s3 =	sld [smem:$0x3FFD];
	_ =	sdelay $0x3  }
0x96: {  	_ =	strace s3  }
0x97: {  	_ =	strace $0x8FFFFFFF  }
0x98: {  	s19 =	sld [smem:$0x3FDB];
	_ =	sdelay $0x1  }
0x99: {  	s4 =	simm.s32 $_scs_section_size  }
0x9a: {  	s5 =	simm.s32 $_size__tile_overlayer_lowered;
	s6 =	simm.s32 $_tile_overlayer_lowered  }
0x9b: {  	s22 =	simm.s32 $0x1BFF;
	s21 =	sshll.u32 s6, $0x1;
	s3 =	sadd.s32 s4, s19  }
0x9c: {  	s7 =	simm.s32 $0x0;
	s20 =	sshll.u32 s5, $0x1;
	s5 =	sadd.s32 s21, s3  }
0x9d: {  	[timem:s7], [sflag:s22] =	dma.local [hbm:s5], s20  }
0x9e: {  	_ =	swait.ge [sflag:s22], s20  }
0x9f: {  	s4 =	ssub.s32 $0x0, s20;
	[sflag:s22] =	ssyncset.done $0x0  }
0xa0: {  	[sflag:s22] =	ssyncadd.s32 s4;
	_ =	sdelay $0x1  }
0xa1: {  	s23 =	simm.s32 $0x1B8B  }
0xa2: {  	_ =	swait.ge [sflag:s23], $0x1  }
0xa3: {  	[sflag:s23] =	ssyncset.done $0x0  }
0xa4: {  	s25 =	simm.s32 $0x1B8E;
	s24 =	sld [smem:$0x3FFE];
	[sflag:s23] =	ssyncadd.s32 $0xFFFFFFFF  }
0xa5: {  	s26 =	simm.s32 $execute0_lowered;
	[smem:$0x3FD2] =	sst s25  }
0xa6: {  	s5 =	sshll.u32 s26, $0x1;
	_ =	strace $0x80000046;
	[dreg:$0x1] =	wrdreg $0xFFFFFFFF  }
0xa7: {  	s28 =	simm.s32 $_size_execute0_lowered;
	s3 =	sadd.s32 s3, s5;
	[dreg:$0x0] =	wrdreg $0x0  }
0xa8: {  	s5 =	sshll.u32 s28, $0x1;
	[dreg:$0x2] =	wrdreg s3  }
0xa9: {  	[dreg:$0x3] =	wrdreg s5  }
0xaa: {  	[dreg:$0x4] =	wrdreg $0xC0  }
0xab: {  	_ =	task [dreg:s7], $0x5FFFF  }
0xac: {  	[dreg:$0x1] =	wrdreg $0xFFFFFFFF  }
0xad: {  	[dreg:$0x0] =	wrdreg $0x60  }
0xae: {  	[dreg:$0x2] =	wrdreg s24  }
0xaf: {  	[dreg:$0x3] =	wrdreg s2  }
0xb0: {  	[dreg:$0x4] =	wrdreg $0x9  }
0xb1: {  	_ =	task.clear_ibuf [dreg:s7], $0x5FFFF;
	_ =	strace $0x90000046  }
0xb2: {  	s29 =	simm.s32 $0x9;
	_ =	strace $0x80000048  }
0xb3: {  	_ =	swait.ge [sflag:s29], $0x1  }
0xb4: {  	[sflag:s29] =	ssyncadd.s32 $0xFFFFFFFF  }
0xb5: {  	_ =	strace $0x90000048  }
0xb6: {  	_ =	sfence  }
0xb7: {  	s30 =	sld [smem:$0x0];
	_ =	sdelay $0x2  }
0xb8: {  	s31 =	sshll.u32 s1, $0xD;
	s1 =	sshrl.u32 s1, $0x2  }
0xb9: {  	s3 =	sand.u32 $0x4000, s31;
	s1 =	sadd.s32 s1, s30  }
0xba: {  	s0 =	sor.u32 s3, s0;
	s1 =	sshll.u32 s1, $0x11  }
0xbb: {  	s0 =	sor.u32 s1, s0  }
0xbc: {  	s0 =	sadd.s32 $0x8F2B, s0  }
0xbd: {  	[sflag:s0] =	ssyncadd.remote.s32 $0x1  }
0xbe: {  	_ =	sfence.sel $0xFFFF  }
0xbf: {  	[dreg:$0x0] =	wrdreg $0xFFFFFFFF;
	(pc) =	sbr.abs _section_cstart, $3  }
0xc0: {  	[dreg:$0x1] =	wrdreg $0xFFFFFFFF  }
0xc1: {  	_ =	task.clear_ibuf [dreg:s7], $0x2FFFF;
	_ =	strace $0x9FFFFFFF  }
0xc2: {  	(tm) =	ssettm $0x7FFFFFFF  }
0xc3: {  	_ =	shalt  }
tec
execute0_lowered:
.L_overlay_start_1:
0x0: {  	(tag) =	ssettag $0x1  }
0x1: {  	s0 =	rddreg [dreg:$0x0]  }
0x2: {  	s1 =	rddreg [dreg:$0x1]  }
0x3: {  	s3 =	srdreg.scid;
	s11 =	stileid.u32  }
0x4: {  	s2 =	simm.s32 $0x0;
	s14 =	simm.s32 $0x9;
	s15 =	simm.s32 $0x80  }
0x5: {  	s16 =	simm.s32 $0x3400;
	s17 =	simm.s32 $0x5400;
	s19 =	simm.s32 $0x7400  }
0x6: {  	s21 =	simm.s32 $0x9400;
	s28 =	simm.s32 $0x7;
	s29 =	simm.s32 $0x4  }
0x7: {  	s30 =	simm.s32 $0x8;
	s31 =	simm.s32 $0x0;
	s9 =	smul.u32 $0x1A0000, s11  }
0x8: {  	s6 =	sand.u32 $0x1, s3;
	s22 =	sshll.u32 s11, $0x1;
	s23 =	smul.u32 $0x6800, s11  }
0x9: {  	[smem:$0x7FF] =	sst s2;
	s3 =	sadd.s32 $0x27ACA00, s0;
	s12 =	smul.u32 $0x3400, s6  }
0xa: {  	s0 =	sadd.s32 $0x600, s0;
	s4 =	sor.u32 s6, s22;
	s25 =	smul.u32 $0xD0000, s6  }
0xb: {  	_ =	strace $0x80000047;
	s7 =	ssub.s32 $0x2, s6;
	s5 =	smul.u32 $0x3400, s4  }
0xc: {  	s22 =	simm.s32 $0x1;
	s4 =	smul.u32 $0xD0000, s4;
	s8 =	sshrl.u32 s7, $0x1  }
0xd: {  	s10 =	ssub.s32 s7, s8;
	s12 =	sadd.s32 s12, s23;
	s23 =	simm.s32 $0x5  }
0xe: {  	s4 =	sshrl.u32 s4, $0x3;
	s5 =	sshrl.u32 s5, $0x3;
	s26 =	sshll.u32 s12, $0x3  }
0xf: {  	s24 =	sadd.s32 s0, s4;
	s1 =	sadd.s32 s1, s5;
	s13 =	sadd.s32 s26, s0  }
0x10: {  	s26 =	simm.s32 $0x3;
	[dreg:$0x3] =	wrdreg s1;
	s5 =	sadd.s32 $0x19000, s24  }
0x11: {  	s6 =	sadd.s32 $0x19400, s24;
	s7 =	sadd.s32 $0x19800, s24;
	s8 =	sadd.s32 $0x19C00, s24  }
0x12: {  	s1 =	sadd.s32 s25, s9;
	s9 =	smax.u32 s10, $0x1;
	s11 =	sadd.s32 $0xC00, s13  }
0x13: {  	s12 =	sadd.s32 $0x800, s13;
	s13 =	sadd.s32 $0x400, s13;
	s1 =	sshrl.u32 s1, $0x3  }
0x14: {  	v0 =	vlaneseq.u32;
	s24 =	simm.s32 $0x2;
	s25 =	simm.s32 $0x6;
	s10 =	sadd.s32 s1, s0  }
.LBB2_1:
0x15: {  	v1 =	vor.u32 s2, v0  }
0x16: {  	s0 =	rddreg [dreg:$0x3];
	v2 =	vmulhi.u32 $0x4EC4EC4F, v1  }
0x17: {  	[tilespmem:s2], [sflag:$0x9] =	stream.linear.gather [hbm4b:s0+s2], $0x3400, $0x38;
	[tilespmem:$0xB400] =	vst v63  }
0x18: {  	_ =	swait.ge [sflag:s14], $0x3400;
	v2 =	vshrl.u32 v2, $0x3  }
0x19: {  	[sflag:s14] =	ssyncset.done $0x0;
	v2 =	vmul.u32 $0x1A, v2  }
0x1a: {  	[sflag:s14] =	ssyncadd.s32 $0xFFFFCC00  }
0x1b: {  	v3 =	vsub.s32 v1, v2;
	v2 =	vld [tilespmem:s2+$0x0];
	_ =	sdelay $0x1  }
0x1c: {  	s20 =	simm.s32 $0x10  }
0x1d: {  	s1 =	simm.s32 $0x20;
	s0 =	simm.s32 $0x0;
	v1 =	vor.u32 s20, v0;
	v3 =	vmul.u32 $0x186A0, v3  }
.LBB2_2:
0x1e: {  	p0 =	sne.s32 s1, $0x33F0;
	v4 =	vmulhi.u32 $0x4EC4EC4F, v1  }
0x1f: {  	v2 =	vadd.s32 v3, v2  }
.Ltmp0:
0x20: {  	v3 =	vshrl.u32 v4, $0x3;
	[tilespmem:s0+$0x0] =	vst v2;
	s0 =	sadd.s32 $0x10, s0;
	(pc) =	sbr.rel @p0 .LBB2_2-.Ltmp0, $3  }
0x21: {  	v3 =	vmul.u32 $0x1A, v3;
	v2 =	vld [tilespmem:s0+$0x0];
	_ =	sdelay $0x1  }
0x22: {  	v3 =	vsub.s32 v1, v3  }
0x23: {  	v1 =	vor.u32 s1, v0;
	s1 =	sadd.s32 $0x10, s1;
	v3 =	vmul.u32 $0x186A0, v3  }
0x24: {  	v4 =	vmulhi.u32 $0x4EC4EC4F, v1  }
0x25: {  	v2 =	vadd.s32 v3, v2  }
0x26: {  	s4 =	sadd.s32 $0x10, s0;
	v3 =	vshrl.u32 v4, $0x3;
	[tilespmem:s0+$0x0] =	vst v2  }
0x27: {  	v2 =	vmul.u32 $0x1A, v3;
	v3 =	vld [tilespmem:s4+$0x0];
	_ =	sdelay $0x1  }
0x28: {  	v1 =	vsub.s32 v1, v2  }
0x29: {  	v1 =	vmul.u32 $0x186A0, v1;
	_ =	sdelay $0x1  }
0x2a: {  	v1 =	vadd.s32 v1, v3  }
0x2b: {  	s18 =	simm.s32 $0x0;
	[tilespmem:s4+$0x0] =	vst v1  }
0x2c: {  	[tilespmem:s16], [sflag:$0x1] =	stream.indirect.gather [hbm4b:s3+s15], $0x40, s18, s15, $0xb8;
	[tilespmem:$0xB400] =	vst v63  }
0x2d: {  	_ = 	snop  }
0x2e: {  	[tilespmem:s17], [sflag:$0x2] =	stream.indirect.gather [hbm4b:s3+s15], $0x40, s15, s15, $0xb8;
	[tilespmem:$0xB400] =	vst v63  }
0x2f: {  	s20 =	simm.s32 $0x100  }
0x30: {  	[tilespmem:s19], [sflag:$0x3] =	stream.indirect.gather [hbm4b:s3+s15], $0x40, s20, s15, $0xb8;
	[tilespmem:$0xB400] =	vst v63  }
0x31: {  	s1 =	simm.s32 $0x180  }
0x32: {  	[tilespmem:s21], [sflag:$0x4] =	stream.indirect.gather [hbm4b:s3+s15], $0x40, s1, s15, $0xb8;
	[tilespmem:$0xB400] =	vst v63  }
0x33: {  	_ =	swait.ge [sflag:s22], $0x2000  }
0x34: {  	[sflag:s22] =	ssyncset.done $0x0  }
0x35: {  	s4 =	sadd.s32 $0x0, s10;
	[sflag:s22] =	ssyncadd.s32 $0xFFFFE000  }
0x36: {  	[hbm4b:s4+s2] =	stream.linear.scatter [tilespmem:s16], [sflag:$0x5], $0x2000, $0x38;
	[tilespmem:$0xB400] =	vst v63  }
0x37: {  	_ =	swait.ge [sflag:s23], $0x2000  }
0x38: {  	[sflag:s23] =	ssyncset.done $0x0  }
0x39: {  	s18 =	simm.s32 $0x200;
	[sflag:s23] =	ssyncadd.s32 $0xFFFFE000  }
0x3a: {  	[tilespmem:s16], [sflag:$0x1] =	stream.indirect.gather [hbm4b:s3+s15], $0x40, s18, s15, $0xb8;
	[tilespmem:$0xB400] =	vst v63  }
0x3b: {  	_ =	swait.ge [sflag:s24], $0x2000  }
0x3c: {  	[sflag:s24] =	ssyncset.done $0x0  }
0x3d: {  	s20 =	sadd.s32 $0x0, s13;
	[sflag:s24] =	ssyncadd.s32 $0xFFFFE000  }
0x3e: {  	[hbm4b:s20+s2] =	stream.linear.scatter [tilespmem:s17], [sflag:$0x6], $0x2000, $0x38;
	[tilespmem:$0xB400] =	vst v63  }
0x3f: {  	_ =	swait.ge [sflag:s25], $0x2000  }
0x40: {  	[sflag:s25] =	ssyncset.done $0x0  }
0x41: {  	s1 =	simm.s32 $0x280;
	[sflag:s25] =	ssyncadd.s32 $0xFFFFE000  }
0x42: {  	[tilespmem:s17], [sflag:$0x2] =	stream.indirect.gather [hbm4b:s3+s15], $0x40, s1, s15, $0xb8;
	[tilespmem:$0xB400] =	vst v63  }
0x43: {  	_ =	swait.ge [sflag:s26], $0x2000  }
0x44: {  	[sflag:s26] =	ssyncset.done $0x0  }
0x45: {  	s4 =	sadd.s32 $0x0, s12;
	[sflag:s26] =	ssyncadd.s32 $0xFFFFE000  }
0x46: {  	[hbm4b:s4+s2] =	stream.linear.scatter [tilespmem:s19], [sflag:$0x7], $0x2000, $0x38;
	[tilespmem:$0xB400] =	vst v63  }
0x47: {  	_ =	swait.ge [sflag:s28], $0x2000  }
0x48: {  	[sflag:s28] =	ssyncset.done $0x0  }
0x49: {  	s18 =	simm.s32 $0x300;
	[sflag:s28] =	ssyncadd.s32 $0xFFFFE000  }
0x4a: {  	[tilespmem:s19], [sflag:$0x3] =	stream.indirect.gather [hbm4b:s3+s15], $0x40, s18, s15, $0xb8;
	[tilespmem:$0xB400] =	vst v63  }
0x4b: {  	_ =	swait.ge [sflag:s29], $0x2000  }
0x4c: {  	[sflag:s29] =	ssyncset.done $0x0  }
0x4d: {  	s20 =	sadd.s32 $0x0, s11;
	[sflag:s29] =	ssyncadd.s32 $0xFFFFE000  }
0x4e: {  	[hbm4b:s20+s2] =	stream.linear.scatter [tilespmem:s21], [sflag:$0x8], $0x2000, $0x38;
	[tilespmem:$0xB400] =	vst v63  }
0x4f: {  	_ =	swait.ge [sflag:s30], $0x2000  }
0x50: {  	s0 =	simm.s32 $0x380;
	[sflag:s30] =	ssyncset.done $0x0  }
0x51: {  	s1 =	simm.s32 $0x1000;
	s18 =	simm.s32 $0x580;
	[sflag:s30] =	ssyncadd.s32 $0xFFFFE000  }
.LBB2_4:
0x52: {  	[tilespmem:s21], [sflag:$0x4] =	stream.indirect.gather [hbm4b:s3+s15], $0x40, s0, s15, $0xb8;
	[tilespmem:$0xB400] =	vst v63  }
0x53: {  	s20 =	smov.u32 s1;
	s0 =	smov.u32 s18  }
0x54: {  	p0 =	sne.s32 s1, $0x18000;
	s1 =	sadd.s32 $0x1000, s1;
	_ =	swait.ge [sflag:s22], $0x2000  }
0x55: {  	[sflag:s22] =	ssyncset.done $0x0  }
0x56: {  	s4 =	sadd.s32 s20, s10;
	[sflag:s22] =	ssyncadd.s32 $0xFFFFE000  }
0x57: {  	[hbm4b:s4+s2] =	stream.linear.scatter [tilespmem:s16], [sflag:$0x5], $0x2000, $0x38;
	[tilespmem:$0xB400] =	vst v63  }
0x58: {  	_ =	swait.ge [sflag:s23], $0x2000  }
0x59: {  	[sflag:s23] =	ssyncset.done $0x0  }
0x5a: {  	s4 =	sadd.s32 $0xFFFFFE80, s18;
	[sflag:s23] =	ssyncadd.s32 $0xFFFFE000  }
0x5b: {  	[tilespmem:s16], [sflag:$0x1] =	stream.indirect.gather [hbm4b:s3+s15], $0x40, s4, s15, $0xb8;
	[tilespmem:$0xB400] =	vst v63  }
0x5c: {  	_ =	swait.ge [sflag:s24], $0x2000  }
0x5d: {  	[sflag:s24] =	ssyncset.done $0x0  }
0x5e: {  	s4 =	sadd.s32 s20, s13;
	[sflag:s24] =	ssyncadd.s32 $0xFFFFE000  }
0x5f: {  	[hbm4b:s4+s2] =	stream.linear.scatter [tilespmem:s17], [sflag:$0x6], $0x2000, $0x38;
	[tilespmem:$0xB400] =	vst v63  }
0x60: {  	_ =	swait.ge [sflag:s25], $0x2000  }
0x61: {  	[sflag:s25] =	ssyncset.done $0x0  }
0x62: {  	s4 =	sadd.s32 $0xFFFFFF00, s18;
	[sflag:s25] =	ssyncadd.s32 $0xFFFFE000  }
0x63: {  	[tilespmem:s17], [sflag:$0x2] =	stream.indirect.gather [hbm4b:s3+s15], $0x40, s4, s15, $0xb8;
	[tilespmem:$0xB400] =	vst v63  }
0x64: {  	_ =	swait.ge [sflag:s26], $0x2000  }
0x65: {  	[sflag:s26] =	ssyncset.done $0x0  }
0x66: {  	s4 =	sadd.s32 s20, s12;
	[sflag:s26] =	ssyncadd.s32 $0xFFFFE000  }
0x67: {  	[hbm4b:s4+s2] =	stream.linear.scatter [tilespmem:s19], [sflag:$0x7], $0x2000, $0x38;
	[tilespmem:$0xB400] =	vst v63  }
0x68: {  	_ =	swait.ge [sflag:s28], $0x2000  }
0x69: {  	[sflag:s28] =	ssyncset.done $0x0  }
0x6a: {  	s4 =	sadd.s32 $0xFFFFFF80, s18;
	[sflag:s28] =	ssyncadd.s32 $0xFFFFE000  }
0x6b: {  	[tilespmem:s19], [sflag:$0x3] =	stream.indirect.gather [hbm4b:s3+s15], $0x40, s4, s15, $0xb8;
	[tilespmem:$0xB400] =	vst v63  }
0x6c: {  	_ =	swait.ge [sflag:s29], $0x2000  }
0x6d: {  	[sflag:s29] =	ssyncset.done $0x0  }
.Ltmp1:
0x6e: {  	s4 =	sadd.s32 s20, s11;
	[sflag:s29] =	ssyncadd.s32 $0xFFFFE000;
	(pc) =	sbr.rel @p0 .LBB2_4-.Ltmp1, $4  }
0x6f: {  	[hbm4b:s4+s2] =	stream.linear.scatter [tilespmem:s21], [sflag:$0x8], $0x2000, $0x38;
	[tilespmem:$0xB400] =	vst v63  }
0x70: {  	_ =	swait.ge [sflag:s30], $0x2000  }
0x71: {  	[sflag:s30] =	ssyncset.done $0x0  }
0x72: {  	s18 =	sadd.s32 $0x200, s18;
	[sflag:s30] =	ssyncadd.s32 $0xFFFFE000  }
0x73: {  	[tilespmem:s21], [sflag:$0x4] =	stream.indirect.gather [hbm4b:s3+s15], $0x40, s0, s15, $0xb8;
	[tilespmem:$0xB400] =	vst v63  }
0x74: {  	_ =	swait.ge [sflag:s22], $0x2000  }
0x75: {  	[sflag:s22] =	ssyncset.done $0x0  }
0x76: {  	[sflag:s22] =	ssyncadd.s32 $0xFFFFE000  }
0x77: {  	[hbm4b:s5+s2] =	stream.linear.scatter [tilespmem:s16], [sflag:$0x5], $0x2000, $0x38;
	[tilespmem:$0xB400] =	vst v63  }
0x78: {  	_ =	swait.ge [sflag:s23], $0x2000  }
0x79: {  	[sflag:s23] =	ssyncset.done $0x0  }
0x7a: {  	[sflag:s23] =	ssyncadd.s32 $0xFFFFE000  }
0x7b: {  	_ =	swait.ge [sflag:s24], $0x2000  }
0x7c: {  	[sflag:s24] =	ssyncset.done $0x0  }
0x7d: {  	[sflag:s24] =	ssyncadd.s32 $0xFFFFE000  }
0x7e: {  	[hbm4b:s6+s2] =	stream.linear.scatter [tilespmem:s17], [sflag:$0x6], $0x2000, $0x38;
	[tilespmem:$0xB400] =	vst v63  }
0x7f: {  	_ =	swait.ge [sflag:s25], $0x2000  }
0x80: {  	[sflag:s25] =	ssyncset.done $0x0  }
0x81: {  	[sflag:s25] =	ssyncadd.s32 $0xFFFFE000  }
0x82: {  	_ =	swait.ge [sflag:s26], $0x2000  }
0x83: {  	[sflag:s26] =	ssyncset.done $0x0  }
0x84: {  	[sflag:s26] =	ssyncadd.s32 $0xFFFFE000  }
0x85: {  	[hbm4b:s7+s2] =	stream.linear.scatter [tilespmem:s19], [sflag:$0x7], $0x2000, $0x38;
	[tilespmem:$0xB400] =	vst v63  }
0x86: {  	_ =	swait.ge [sflag:s28], $0x2000  }
0x87: {  	[sflag:s28] =	ssyncset.done $0x0  }
0x88: {  	[sflag:s28] =	ssyncadd.s32 $0xFFFFE000  }
0x89: {  	s31 =	sadd.s32 $0x1, s31;
	_ =	swait.ge [sflag:s29], $0x2000  }
0x8a: {  	p0 =	sne.s32 s31, s9;
	[sflag:s29] =	ssyncset.done $0x0  }
.Ltmp2:
0x8b: {  	[sflag:s29] =	ssyncadd.s32 $0xFFFFE000;
	(pc) =	sbr.rel @p0 .LBB2_1-.Ltmp2, $4  }
0x8c: {  	[hbm4b:s8+s2] =	stream.linear.scatter [tilespmem:s21], [sflag:$0x8], $0x2000, $0x38;
	[tilespmem:$0xB400] =	vst v63  }
0x8d: {  	_ =	swait.ge [sflag:s30], $0x2000  }
0x8e: {  	[sflag:s30] =	ssyncset.done $0x0  }
0x8f: {  	[sflag:s30] =	ssyncadd.s32 $0xFFFFE000  }
0x90: {  	_ =	sfence.sel $0x180000  }
0x91: {  	[bflag:$0x0] =	sbarrier.arrive $0xFFFF  }
0x92: {  	_ =	strace $0x90000047  }
0x93: {  	s0 =	stileid.u32;
	[bflag:$0x2] =	sbarrier.arrive $0xFFFF  }
0x94: {  	p0 =	sne.s32 s0, $0x0;
	s0 =	rddreg [dreg:$0x2]  }
0x95: {  	s0 =	sadd.s32 @!p0 $0x100000, s0  }
0x96: {  	[sflag:s0] =	ssyncadd.tile.s32 @!p0 $0x1;
	_ =	shalt  }
.Lfunc_end2:
_tile_overlayer_lowered:
.L_overlay_start_2:
0x97: {  	(tag) =	ssettag $0x2  }
0x98: {  	s0 =	rddreg [dreg:$0x0];
	s2 =	stileid.u32  }
0x99: {  	s1 =	rddreg [dreg:$0x1];
	p0 =	sne.s32 s2, $0x0  }
0x9a: {  	s3 =	rddreg [dreg:$0x2];
	[bflag:$0x3] =	sbarrier.arrive $0xFFFF;
	s2 =	simm.s32 @!p0 $0x1C09  }
0x9b: {  	[timem:s3], [sflag:s2] =	dma.local @!p0 [hbm:s0], s1  }
0x9c: {  	s0 =	simm.s32 @!p0 $0x9  }
0x9d: {  	_ =	swait.ge @!p0 [sflag:s0], s1  }
0x9e: {  	s1 =	ssub.s32 @!p0 $0x0, s1;
	[sflag:s0] =	ssyncset.done @!p0 $0x0  }
0x9f: {  	[sflag:s0] =	ssyncadd.s32 @!p0 s1  }
0xa0: {  	[bflag:$0x3] =	sbarrier.arrive $0xFFFF  }
0xa1: {  	_ =	shalt  }

</sc_bundles>
